<compile_context>
chip_gen: v7x
topology: tpu7x:2x2x1
jax: 0.10.2.dev20260603
libtpu: 0.0.44.dev20260713+nightly
codegen_flags: <defaults>
</compile_context>

<pallas_src>
import functools

import jax
import jax.numpy as jnp
from jax import lax
from jax.experimental import pallas as pl
from jax.experimental.pallas import tpu as pltpu
from jax.experimental.pallas import tpu_sc as plsc

NUM_ROWS = 2600000
BATCH = 16384
N_FIELDS = 26

NC = 2
NS = 16
L = 16
NW = NC * NS
ROWS_W = BATCH // NW
IDX_W = ROWS_W * N_FIELDS

_mesh = plsc.VectorSubcoreMesh(core_axis_name="c", subcore_axis_name="s")

_SQ_BLK = 1310720
_SQ_GRID = -(-NUM_ROWS // _SQ_BLK)


def _tc_squeeze_body(w_ref, o_ref):
    o_ref[...] = w_ref[0, :]


_tc_squeeze = pl.pallas_call(
    _tc_squeeze_body,
    out_shape=jax.ShapeDtypeStruct((NUM_ROWS,), jnp.float32),
    grid=(_SQ_GRID,),
    in_specs=[pl.BlockSpec((1, _SQ_BLK), lambda i: (0, i))],
    out_specs=pl.BlockSpec((_SQ_BLK,), lambda i: (i,)),
)


@functools.partial(
    pl.kernel,
    out_type=jax.ShapeDtypeStruct((BATCH,), jnp.float32),
    mesh=_mesh,
    scratch_types=[
        pltpu.VMEM((IDX_W,), jnp.int32),
        pltpu.VMEM((IDX_W,), jnp.float32),
        pltpu.VMEM((ROWS_W,), jnp.float32),
        pltpu.VMEM((L,), jnp.float32),
        pltpu.SemaphoreType.DMA,
        pltpu.SemaphoreType.DMA,
    ],
)
def _sc_embed_sum(idx_hbm, table_hbm, bias_hbm, out_hbm,
                  idx_v, vals_v, out_v, bias_v, sem, sem_hi):
    wid = lax.axis_index("s") * NC + lax.axis_index("c")
    base = wid * ROWS_W

    pltpu.sync_copy(bias_hbm, bias_v)
    pltpu.sync_copy(idx_hbm.at[wid], idx_v)

    HF = N_FIELDS // 2
    HW = HF * ROWS_W

    d_lo = pltpu.async_copy(table_hbm.at[idx_v.at[pl.ds(0, HW)]],
                            vals_v.at[pl.ds(0, HW)], sem)
    pltpu.async_copy(table_hbm.at[idx_v.at[pl.ds(HW, IDX_W - HW)]],
                     vals_v.at[pl.ds(HW, IDX_W - HW)], sem_hi)
    d_lo.wait()

    bias_vec = bias_v[...]

    @pl.loop(0, ROWS_W // L)
    def _reduce_lo(j):
        acc = bias_vec
        for f in range(HF):
            acc = acc + vals_v[pl.ds(f * ROWS_W + j * L, L)]
        out_v[pl.ds(j * L, L)] = acc

    pltpu.make_async_copy(table_hbm.at[pl.ds(0, IDX_W - HW)],
                          vals_v.at[pl.ds(HW, IDX_W - HW)], sem_hi).wait()

    @pl.loop(0, ROWS_W // L)
    def _reduce_hi(j):
        acc = out_v[pl.ds(j * L, L)]
        for f in range(HF, N_FIELDS):
            acc = acc + vals_v[pl.ds(f * ROWS_W + j * L, L)]
        out_v[pl.ds(j * L, L)] = acc

    pltpu.sync_copy(out_v, out_hbm.at[pl.ds(base, ROWS_W)])


def kernel(x, fc_weight, bias):
    idx = (x.astype(jnp.int32)
           .T.reshape(N_FIELDS, NW, ROWS_W)
           .transpose(1, 0, 2)
           .reshape(NW, IDX_W))
    table = _tc_squeeze(fc_weight.T)
    bias_b = jnp.broadcast_to(bias.astype(jnp.float32), (L,))
    out = _sc_embed_sum(idx, table, bias_b)
    return out.reshape(BATCH, 1)

# --- scband reference (transcript-rebuilt; emitter-appended) ---
"""Pipeline reference for scband-features-linear-23510650978341 (READ-ONLY COPY).

The authoritative reference and input builder live on the scoring server;
editing this copy changes nothing except your own understanding.
"""

import jax, jax.numpy as jnp
import numpy as np

NUM_ROWS = 2600000
BATCH = 16384
N_FIELDS = 26

def setup_inputs(seed: int = 0) -> dict:
    key = jax.random.key(seed)
    k1, k2, k3 = jax.random.split(key, 3)
    x = jax.random.randint(k1, (BATCH, N_FIELDS), 0, NUM_ROWS, dtype=jnp.int64 if jax.config.jax_enable_x64 else jnp.int32)
    fc_weight = jax.random.normal(k2, (NUM_ROWS, 1), dtype=jnp.float32) * 0.01
    bias = jnp.zeros((1,), dtype=jnp.float32)
    return {"x": x, "fc_weight": fc_weight, "bias": bias}

def reference(x, fc_weight, bias):
    # torch: torch.sum(self.fc(x), dim=1) + self.bias
    emb = jnp.take(fc_weight, x, axis=0)          # [B, F, 1]
    out = jnp.sum(emb, axis=1) + bias             # [B, 1]
    return out

if __name__ == "__main__":
    import jax
    _d = setup_inputs()
    print(jax.jit(kernel)(*tuple(_d.values())))

</pallas_src>

<mosaic_0001>
#map = affine_map<(d0, d1) -> (0, 0)>
#map1 = affine_map<(d0, d1) -> (0)>
module attributes {stable_mosaic.version = 14 : i64} {
  func.func @_sc_embed_sum(%arg0: i32, %arg1: i32, %arg2: memref<32x13312xi32, #tpu.memory_space<hbm>>, %arg3: memref<2600000xf32, #tpu.memory_space<hbm>>, %arg4: memref<16xf32, #tpu.memory_space<hbm>>, %arg5: memref<16384xf32, #tpu.memory_space<hbm>>, %arg6: memref<13312xi32, #tpu.memory_space<vmem>>, %arg7: memref<13312xf32, #tpu.memory_space<vmem>>, %arg8: memref<512xf32, #tpu.memory_space<vmem>>, %arg9: memref<16xf32, #tpu.memory_space<vmem>>, %arg10: memref<!tpu.dma_semaphore, #tpu.memory_space<semaphore_mem>>, %arg11: memref<!tpu.dma_semaphore, #tpu.memory_space<semaphore_mem>>) attributes {dimension_semantics = [#tpu.dimension_semantics<core_parallel>, #tpu.dimension_semantics<subcore_parallel>], iteration_bounds = array<i64: 2, 16>, scalar_prefetch = 0 : i64, scratch_operands = 6 : i64, tpu.core_type = #tpu.core_type<sc_vector_subcore>, window_params = [{transform_indices = #map}, {transform_indices = #map1}, {transform_indices = #map1}, {transform_indices = #map1}]} {
    %mul3A = arith.constant 2 : i32
    %mul3A_0 = arith.muli %arg1, %mul3A : i32
    %add3A = arith.addi %mul3A_0, %arg0 : i32
    %mul3A_1 = arith.constant 512 : i32
    %mul3A_2 = arith.muli %add3A, %mul3A_1 : i32
    "tpu.region"() ({
      %run_scoped3A = tpu.sem_alloc : memref<!tpu.dma_semaphore, #tpu.memory_space<semaphore_mem>>
      tpu.enqueue_dma source(%arg4 : memref<16xf32, #tpu.memory_space<hbm>>) target(%arg9 : memref<16xf32, #tpu.memory_space<vmem>>) target_semaphore(%run_scoped3A : memref<!tpu.dma_semaphore, #tpu.memory_space<semaphore_mem>>)
      tpu.wait_dma2 semaphore(%run_scoped3A : memref<!tpu.dma_semaphore, #tpu.memory_space<semaphore_mem>>) src(%arg4 : memref<16xf32, #tpu.memory_space<hbm>>) dst(%arg9 : memref<16xf32, #tpu.memory_space<vmem>>)
      tpu.yield
    }) : () -> ()
    "tpu.region"() ({
      %run_scoped3A = tpu.sem_alloc : memref<!tpu.dma_semaphore, #tpu.memory_space<semaphore_mem>>
      %dma_start3A_38 = arith.constant 0 : i32
      %dma_start3A_39 = tpu.memref_slice %arg2[%add3A, %dma_start3A_38] : memref<32x13312xi32, #tpu.memory_space<hbm>> -> memref<1x13312xi32, #tpu.memory_space<hbm>>
      %dma_start3A_40 = tpu.memref_squeeze %dma_start3A_39 : memref<1x13312xi32, #tpu.memory_space<hbm>> -> memref<13312xi32, #tpu.memory_space<hbm>>
      %dma_start3A_41 = arith.constant 0 : i32
      %dma_start3A_42 = tpu.memref_slice %arg2[%add3A, %dma_start3A_41] : memref<32x13312xi32, #tpu.memory_space<hbm>> -> memref<1x13312xi32, #tpu.memory_space<hbm>>
      %dma_start3A_43 = tpu.memref_squeeze %dma_start3A_42 : memref<1x13312xi32, #tpu.memory_space<hbm>> -> memref<13312xi32, #tpu.memory_space<hbm>>
      tpu.enqueue_dma source(%dma_start3A_43 : memref<13312xi32, #tpu.memory_space<hbm>>) target(%arg6 : memref<13312xi32, #tpu.memory_space<vmem>>) target_semaphore(%run_scoped3A : memref<!tpu.dma_semaphore, #tpu.memory_space<semaphore_mem>>)
      %dma_wait3A_44 = arith.constant 0 : i32
      %dma_wait3A_45 = tpu.memref_slice %arg2[%add3A, %dma_wait3A_44] : memref<32x13312xi32, #tpu.memory_space<hbm>> -> memref<1x13312xi32, #tpu.memory_space<hbm>>
      %dma_wait3A_46 = tpu.memref_squeeze %dma_wait3A_45 : memref<1x13312xi32, #tpu.memory_space<hbm>> -> memref<13312xi32, #tpu.memory_space<hbm>>
      %dma_wait3A_47 = arith.constant 0 : i32
      %dma_wait3A_48 = tpu.memref_slice %arg2[%add3A, %dma_wait3A_47] : memref<32x13312xi32, #tpu.memory_space<hbm>> -> memref<1x13312xi32, #tpu.memory_space<hbm>>
      %dma_wait3A_49 = tpu.memref_squeeze %dma_wait3A_48 : memref<1x13312xi32, #tpu.memory_space<hbm>> -> memref<13312xi32, #tpu.memory_space<hbm>>
      tpu.wait_dma2 semaphore(%run_scoped3A : memref<!tpu.dma_semaphore, #tpu.memory_space<semaphore_mem>>) src(%dma_wait3A_49 : memref<13312xi32, #tpu.memory_space<hbm>>) dst(%arg6 : memref<13312xi32, #tpu.memory_space<vmem>>)
      tpu.yield
    }) : () -> ()
    %dma_start3A = arith.constant 0 : i32
    %dma_start3A_3 = tpu.memref_slice %arg7[%dma_start3A] : memref<13312xf32, #tpu.memory_space<vmem>> -> memref<6656xf32, #tpu.memory_space<vmem>>
    %dma_start3A_4 = arith.constant 0 : i32
    %dma_start3A_5 = tpu.memref_slice %arg6[%dma_start3A_4] : memref<13312xi32, #tpu.memory_space<vmem>> -> memref<6656xi32, #tpu.memory_space<vmem>>
    %dma_start3A_6 = arith.constant 0 : i32
    %dma_start3A_7 = tpu.memref_slice %arg3[%dma_start3A_6] : memref<2600000xf32, #tpu.memory_space<hbm>> -> memref<2600000xf32, #tpu.memory_space<hbm>>
    tpu.enqueue_indirect_dma source(%dma_start3A_7 : memref<2600000xf32, #tpu.memory_space<hbm>>) target(%dma_start3A_3 : memref<6656xf32, #tpu.memory_space<vmem>>) offsets(%dma_start3A_5 : memref<6656xi32, #tpu.memory_space<vmem>>) semaphore(%arg10 : memref<!tpu.dma_semaphore, #tpu.memory_space<semaphore_mem>>)
    %dma_start3A_8 = arith.constant 6656 : i32
    %dma_start3A_9 = tpu.memref_slice %arg7[%dma_start3A_8] : memref<13312xf32, #tpu.memory_space<vmem>> -> memref<6656xf32, #tpu.memory_space<vmem>>
    %dma_start3A_10 = arith.constant 6656 : i32
    %dma_start3A_11 = tpu.memref_slice %arg6[%dma_start3A_10] : memref<13312xi32, #tpu.memory_space<vmem>> -> memref<6656xi32, #tpu.memory_space<vmem>>
    %dma_start3A_12 = arith.constant 0 : i32
    %dma_start3A_13 = tpu.memref_slice %arg3[%dma_start3A_12] : memref<2600000xf32, #tpu.memory_space<hbm>> -> memref<2600000xf32, #tpu.memory_space<hbm>>
    tpu.enqueue_indirect_dma source(%dma_start3A_13 : memref<2600000xf32, #tpu.memory_space<hbm>>) target(%dma_start3A_9 : memref<6656xf32, #tpu.memory_space<vmem>>) offsets(%dma_start3A_11 : memref<6656xi32, #tpu.memory_space<vmem>>) semaphore(%arg11 : memref<!tpu.dma_semaphore, #tpu.memory_space<semaphore_mem>>)
    %dma_wait3A = arith.constant 0 : i32
    %dma_wait3A_14 = tpu.memref_slice %arg7[%dma_wait3A] : memref<13312xf32, #tpu.memory_space<vmem>> -> memref<6656xf32, #tpu.memory_space<vmem>>
    %dma_wait3A_15 = arith.constant 0 : i32
    %dma_wait3A_16 = tpu.memref_slice %arg6[%dma_wait3A_15] : memref<13312xi32, #tpu.memory_space<vmem>> -> memref<6656xi32, #tpu.memory_space<vmem>>
    %dma_wait3A_17 = arith.constant 0 : i32
    %dma_wait3A_18 = tpu.memref_slice %arg3[%dma_wait3A_17] : memref<2600000xf32, #tpu.memory_space<hbm>> -> memref<2600000xf32, #tpu.memory_space<hbm>>
    tpu.wait_indirect_dma semaphore(%arg10 : memref<!tpu.dma_semaphore, #tpu.memory_space<semaphore_mem>>) src(%dma_wait3A_18 : memref<2600000xf32, #tpu.memory_space<hbm>>) dst(%dma_wait3A_14 : memref<6656xf32, #tpu.memory_space<vmem>>)
    %get3A = arith.constant 0 : index
    %get3A_19 = tpu.vector_load %arg9[%get3A] {strides = array<i32>} : memref<16xf32, #tpu.memory_space<vmem>>, vector<16xf32>,
    %get3A_20 = vector.shape_cast %get3A_19 : vector<16xf32> to vector<16xf32>
    %scan3A = arith.constant 0 : i32
    %scan3A_21 = arith.constant 32 : i32
    %scan3A_22 = arith.addi %scan3A, %scan3A_21 : i32
    %scan3A_23 = arith.constant 1 : i32
    scf.for %scan3A_38 = %scan3A to %scan3A_22 step %scan3A_23  : i32 {
      %mul3A_39 = arith.constant 1 : i32
      %mul3A_40 = arith.muli %scan3A_38, %mul3A_39 : i32
      %add3A_41 = arith.constant 0 : i32
      %add3A_42 = arith.addi %add3A_41, %mul3A_40 : i32
      %mul3A_43 = arith.constant 16 : i32
      %mul3A_44 = arith.muli %add3A_42, %mul3A_43 : i32
      %add3A_45 = arith.constant 0 : i32
      %add3A_46 = arith.addi %add3A_45, %mul3A_44 : i32
      %get3A_47 = arith.index_cast %add3A_46 : i32 to index
      %get3A_48 = tpu.vector_load %arg7[%get3A_47] {strides = array<i32>} : memref<13312xf32, #tpu.memory_space<vmem>>, vector<16xf32>,
      %get3A_49 = vector.shape_cast %get3A_48 : vector<16xf32> to vector<16xf32>
      %add3A_50 = arith.addf %get3A_20, %get3A_49 : vector<16xf32>
      %mul3A_51 = arith.constant 16 : i32
      %mul3A_52 = arith.muli %add3A_42, %mul3A_51 : i32
      %add3A_53 = arith.constant 512 : i32
      %add3A_54 = arith.addi %add3A_53, %mul3A_52 : i32
      %get3A_55 = arith.index_cast %add3A_54 : i32 to index
      %get3A_56 = tpu.vector_load %arg7[%get3A_55] {strides = array<i32>} : memref<13312xf32, #tpu.memory_space<vmem>>, vector<16xf32>,
      %get3A_57 = vector.shape_cast %get3A_56 : vector<16xf32> to vector<16xf32>
      %add3A_58 = arith.addf %add3A_50, %get3A_57 : vector<16xf32>
      %mul3A_59 = arith.constant 16 : i32
      %mul3A_60 = arith.muli %add3A_42, %mul3A_59 : i32
      %add3A_61 = arith.constant 1024 : i32
      %add3A_62 = arith.addi %add3A_61, %mul3A_60 : i32
      %get3A_63 = arith.index_cast %add3A_62 : i32 to index
      %get3A_64 = tpu.vector_load %arg7[%get3A_63] {strides = array<i32>} : memref<13312xf32, #tpu.memory_space<vmem>>, vector<16xf32>,
      %get3A_65 = vector.shape_cast %get3A_64 : vector<16xf32> to vector<16xf32>
      %add3A_66 = arith.addf %add3A_58, %get3A_65 : vector<16xf32>
      %mul3A_67 = arith.constant 16 : i32
      %mul3A_68 = arith.muli %add3A_42, %mul3A_67 : i32
      %add3A_69 = arith.constant 1536 : i32
      %add3A_70 = arith.addi %add3A_69, %mul3A_68 : i32
      %get3A_71 = arith.index_cast %add3A_70 : i32 to index
      %get3A_72 = tpu.vector_load %arg7[%get3A_71] {strides = array<i32>} : memref<13312xf32, #tpu.memory_space<vmem>>, vector<16xf32>,
      %get3A_73 = vector.shape_cast %get3A_72 : vector<16xf32> to vector<16xf32>
      %add3A_74 = arith.addf %add3A_66, %get3A_73 : vector<16xf32>
      %mul3A_75 = arith.constant 16 : i32
      %mul3A_76 = arith.muli %add3A_42, %mul3A_75 : i32
      %add3A_77 = arith.constant 2048 : i32
      %add3A_78 = arith.addi %add3A_77, %mul3A_76 : i32
      %get3A_79 = arith.index_cast %add3A_78 : i32 to index
      %get3A_80 = tpu.vector_load %arg7[%get3A_79] {strides = array<i32>} : memref<13312xf32, #tpu.memory_space<vmem>>, vector<16xf32>,
      %get3A_81 = vector.shape_cast %get3A_80 : vector<16xf32> to vector<16xf32>
      %add3A_82 = arith.addf %add3A_74, %get3A_81 : vector<16xf32>
      %mul3A_83 = arith.constant 16 : i32
      %mul3A_84 = arith.muli %add3A_42, %mul3A_83 : i32
      %add3A_85 = arith.constant 2560 : i32
      %add3A_86 = arith.addi %add3A_85, %mul3A_84 : i32
      %get3A_87 = arith.index_cast %add3A_86 : i32 to index
      %get3A_88 = tpu.vector_load %arg7[%get3A_87] {strides = array<i32>} : memref<13312xf32, #tpu.memory_space<vmem>>, vector<16xf32>,
      %get3A_89 = vector.shape_cast %get3A_88 : vector<16xf32> to vector<16xf32>
      %add3A_90 = arith.addf %add3A_82, %get3A_89 : vector<16xf32>
      %mul3A_91 = arith.constant 16 : i32
      %mul3A_92 = arith.muli %add3A_42, %mul3A_91 : i32
      %add3A_93 = arith.constant 3072 : i32
      %add3A_94 = arith.addi %add3A_93, %mul3A_92 : i32
      %get3A_95 = arith.index_cast %add3A_94 : i32 to index
      %get3A_96 = tpu.vector_load %arg7[%get3A_95] {strides = array<i32>} : memref<13312xf32, #tpu.memory_space<vmem>>, vector<16xf32>,
      %get3A_97 = vector.shape_cast %get3A_96 : vector<16xf32> to vector<16xf32>
      %add3A_98 = arith.addf %add3A_90, %get3A_97 : vector<16xf32>
      %mul3A_99 = arith.constant 16 : i32
      %mul3A_100 = arith.muli %add3A_42, %mul3A_99 : i32
      %add3A_101 = arith.constant 3584 : i32
      %add3A_102 = arith.addi %add3A_101, %mul3A_100 : i32
      %get3A_103 = arith.index_cast %add3A_102 : i32 to index
      %get3A_104 = tpu.vector_load %arg7[%get3A_103] {strides = array<i32>} : memref<13312xf32, #tpu.memory_space<vmem>>, vector<16xf32>,
      %get3A_105 = vector.shape_cast %get3A_104 : vector<16xf32> to vector<16xf32>
      %add3A_106 = arith.addf %add3A_98, %get3A_105 : vector<16xf32>
      %mul3A_107 = arith.constant 16 : i32
      %mul3A_108 = arith.muli %add3A_42, %mul3A_107 : i32
      %add3A_109 = arith.constant 4096 : i32
      %add3A_110 = arith.addi %add3A_109, %mul3A_108 : i32
      %get3A_111 = arith.index_cast %add3A_110 : i32 to index
      %get3A_112 = tpu.vector_load %arg7[%get3A_111] {strides = array<i32>} : memref<13312xf32, #tpu.memory_space<vmem>>, vector<16xf32>,
      %get3A_113 = vector.shape_cast %get3A_112 : vector<16xf32> to vector<16xf32>
      %add3A_114 = arith.addf %add3A_106, %get3A_113 : vector<16xf32>
      %mul3A_115 = arith.constant 16 : i32
      %mul3A_116 = arith.muli %add3A_42, %mul3A_115 : i32
      %add3A_117 = arith.constant 4608 : i32
      %add3A_118 = arith.addi %add3A_117, %mul3A_116 : i32
      %get3A_119 = arith.index_cast %add3A_118 : i32 to index
      %get3A_120 = tpu.vector_load %arg7[%get3A_119] {strides = array<i32>} : memref<13312xf32, #tpu.memory_space<vmem>>, vector<16xf32>,
      %get3A_121 = vector.shape_cast %get3A_120 : vector<16xf32> to vector<16xf32>
      %add3A_122 = arith.addf %add3A_114, %get3A_121 : vector<16xf32>
      %mul3A_123 = arith.constant 16 : i32
      %mul3A_124 = arith.muli %add3A_42, %mul3A_123 : i32
      %add3A_125 = arith.constant 5120 : i32
      %add3A_126 = arith.addi %add3A_125, %mul3A_124 : i32
      %get3A_127 = arith.index_cast %add3A_126 : i32 to index
      %get3A_128 = tpu.vector_load %arg7[%get3A_127] {strides = array<i32>} : memref<13312xf32, #tpu.memory_space<vmem>>, vector<16xf32>,
      %get3A_129 = vector.shape_cast %get3A_128 : vector<16xf32> to vector<16xf32>
      %add3A_130 = arith.addf %add3A_122, %get3A_129 : vector<16xf32>
      %mul3A_131 = arith.constant 16 : i32
      %mul3A_132 = arith.muli %add3A_42, %mul3A_131 : i32
      %add3A_133 = arith.constant 5632 : i32
      %add3A_134 = arith.addi %add3A_133, %mul3A_132 : i32
      %get3A_135 = arith.index_cast %add3A_134 : i32 to index
      %get3A_136 = tpu.vector_load %arg7[%get3A_135] {strides = array<i32>} : memref<13312xf32, #tpu.memory_space<vmem>>, vector<16xf32>,
      %get3A_137 = vector.shape_cast %get3A_136 : vector<16xf32> to vector<16xf32>
      %add3A_138 = arith.addf %add3A_130, %get3A_137 : vector<16xf32>
      %mul3A_139 = arith.constant 16 : i32
      %mul3A_140 = arith.muli %add3A_42, %mul3A_139 : i32
      %add3A_141 = arith.constant 6144 : i32
      %add3A_142 = arith.addi %add3A_141, %mul3A_140 : i32
      %get3A_143 = arith.index_cast %add3A_142 : i32 to index
      %get3A_144 = tpu.vector_load %arg7[%get3A_143] {strides = array<i32>} : memref<13312xf32, #tpu.memory_space<vmem>>, vector<16xf32>,
      %get3A_145 = vector.shape_cast %get3A_144 : vector<16xf32> to vector<16xf32>
      %add3A_146 = arith.addf %add3A_138, %get3A_145 : vector<16xf32>
      %mul3A_147 = arith.constant 16 : i32
      %mul3A_148 = arith.muli %add3A_42, %mul3A_147 : i32
      %swap3A = arith.index_cast %mul3A_148 : i32 to index
      %swap3A_149 = tpu.vector_load %arg8[%swap3A] {strides = array<i32>} : memref<512xf32, #tpu.memory_space<vmem>>, vector<16xf32>,
      %swap3A_150 = vector.shape_cast %swap3A_149 : vector<16xf32> to vector<16xf32>
      %swap3A_151 = vector.shape_cast %add3A_146 : vector<16xf32> to vector<16xf32>
      tpu.vector_store %arg8[%swap3A], %swap3A_151 {strides = array<i32>} : memref<512xf32, #tpu.memory_space<vmem>>, vector<16xf32>,
    }
    %scan3A_24 = arith.constant 32 : i32
    %dma_wait3A_25 = arith.constant 6656 : i32
    %dma_wait3A_26 = tpu.memref_slice %arg7[%dma_wait3A_25] : memref<13312xf32, #tpu.memory_space<vmem>> -> memref<6656xf32, #tpu.memory_space<vmem>>
    %dma_wait3A_27 = arith.constant 0 : i32
    %dma_wait3A_28 = tpu.memref_slice %arg3[%dma_wait3A_27] : memref<2600000xf32, #tpu.memory_space<hbm>> -> memref<6656xf32, #tpu.memory_space<hbm>>
    %dma_wait3A_29 = arith.constant 6656 : i32
    %dma_wait3A_30 = tpu.memref_slice %arg7[%dma_wait3A_29] : memref<13312xf32, #tpu.memory_space<vmem>> -> memref<6656xf32, #tpu.memory_space<vmem>>
    %dma_wait3A_31 = arith.constant 0 : i32
    %dma_wait3A_32 = tpu.memref_slice %arg3[%dma_wait3A_31] : memref<2600000xf32, #tpu.memory_space<hbm>> -> memref<6656xf32, #tpu.memory_space<hbm>>
    tpu.wait_dma2 semaphore(%arg11 : memref<!tpu.dma_semaphore, #tpu.memory_space<semaphore_mem>>) src(%dma_wait3A_32 : memref<6656xf32, #tpu.memory_space<hbm>>) dst(%dma_wait3A_30 : memref<6656xf32, #tpu.memory_space<vmem>>)
    %scan3A_33 = arith.constant 0 : i32
    %scan3A_34 = arith.constant 32 : i32
    %scan3A_35 = arith.addi %scan3A_33, %scan3A_34 : i32
    %scan3A_36 = arith.constant 1 : i32
    scf.for %scan3A_38 = %scan3A_33 to %scan3A_35 step %scan3A_36  : i32 {
      %mul3A_39 = arith.constant 1 : i32
      %mul3A_40 = arith.muli %scan3A_38, %mul3A_39 : i32
      %add3A_41 = arith.constant 0 : i32
      %add3A_42 = arith.addi %add3A_41, %mul3A_40 : i32
      %mul3A_43 = arith.constant 16 : i32
      %mul3A_44 = arith.muli %add3A_42, %mul3A_43 : i32
      %get3A_45 = arith.index_cast %mul3A_44 : i32 to index
      %get3A_46 = tpu.vector_load %arg8[%get3A_45] {strides = array<i32>} : memref<512xf32, #tpu.memory_space<vmem>>, vector<16xf32>,
      %get3A_47 = vector.shape_cast %get3A_46 : vector<16xf32> to vector<16xf32>
      %mul3A_48 = arith.constant 16 : i32
      %mul3A_49 = arith.muli %add3A_42, %mul3A_48 : i32
      %add3A_50 = arith.constant 6656 : i32
      %add3A_51 = arith.addi %add3A_50, %mul3A_49 : i32
      %get3A_52 = arith.index_cast %add3A_51 : i32 to index
      %get3A_53 = tpu.vector_load %arg7[%get3A_52] {strides = array<i32>} : memref<13312xf32, #tpu.memory_space<vmem>>, vector<16xf32>,
      %get3A_54 = vector.shape_cast %get3A_53 : vector<16xf32> to vector<16xf32>
      %add3A_55 = arith.addf %get3A_47, %get3A_54 : vector<16xf32>
      %mul3A_56 = arith.constant 16 : i32
      %mul3A_57 = arith.muli %add3A_42, %mul3A_56 : i32
      %add3A_58 = arith.constant 7168 : i32
      %add3A_59 = arith.addi %add3A_58, %mul3A_57 : i32
      %get3A_60 = arith.index_cast %add3A_59 : i32 to index
      %get3A_61 = tpu.vector_load %arg7[%get3A_60] {strides = array<i32>} : memref<13312xf32, #tpu.memory_space<vmem>>, vector<16xf32>,
      %get3A_62 = vector.shape_cast %get3A_61 : vector<16xf32> to vector<16xf32>
      %add3A_63 = arith.addf %add3A_55, %get3A_62 : vector<16xf32>
      %mul3A_64 = arith.constant 16 : i32
      %mul3A_65 = arith.muli %add3A_42, %mul3A_64 : i32
      %add3A_66 = arith.constant 7680 : i32
      %add3A_67 = arith.addi %add3A_66, %mul3A_65 : i32
      %get3A_68 = arith.index_cast %add3A_67 : i32 to index
      %get3A_69 = tpu.vector_load %arg7[%get3A_68] {strides = array<i32>} : memref<13312xf32, #tpu.memory_space<vmem>>, vector<16xf32>,
      %get3A_70 = vector.shape_cast %get3A_69 : vector<16xf32> to vector<16xf32>
      %add3A_71 = arith.addf %add3A_63, %get3A_70 : vector<16xf32>
      %mul3A_72 = arith.constant 16 : i32
      %mul3A_73 = arith.muli %add3A_42, %mul3A_72 : i32
      %add3A_74 = arith.constant 8192 : i32
      %add3A_75 = arith.addi %add3A_74, %mul3A_73 : i32
      %get3A_76 = arith.index_cast %add3A_75 : i32 to index
      %get3A_77 = tpu.vector_load %arg7[%get3A_76] {strides = array<i32>} : memref<13312xf32, #tpu.memory_space<vmem>>, vector<16xf32>,
      %get3A_78 = vector.shape_cast %get3A_77 : vector<16xf32> to vector<16xf32>
      %add3A_79 = arith.addf %add3A_71, %get3A_78 : vector<16xf32>
      %mul3A_80 = arith.constant 16 : i32
      %mul3A_81 = arith.muli %add3A_42, %mul3A_80 : i32
      %add3A_82 = arith.constant 8704 : i32
      %add3A_83 = arith.addi %add3A_82, %mul3A_81 : i32
      %get3A_84 = arith.index_cast %add3A_83 : i32 to index
      %get3A_85 = tpu.vector_load %arg7[%get3A_84] {strides = array<i32>} : memref<13312xf32, #tpu.memory_space<vmem>>, vector<16xf32>,
      %get3A_86 = vector.shape_cast %get3A_85 : vector<16xf32> to vector<16xf32>
      %add3A_87 = arith.addf %add3A_79, %get3A_86 : vector<16xf32>
      %mul3A_88 = arith.constant 16 : i32
      %mul3A_89 = arith.muli %add3A_42, %mul3A_88 : i32
      %add3A_90 = arith.constant 9216 : i32
      %add3A_91 = arith.addi %add3A_90, %mul3A_89 : i32
      %get3A_92 = arith.index_cast %add3A_91 : i32 to index
      %get3A_93 = tpu.vector_load %arg7[%get3A_92] {strides = array<i32>} : memref<13312xf32, #tpu.memory_space<vmem>>, vector<16xf32>,
      %get3A_94 = vector.shape_cast %get3A_93 : vector<16xf32> to vector<16xf32>
      %add3A_95 = arith.addf %add3A_87, %get3A_94 : vector<16xf32>
      %mul3A_96 = arith.constant 16 : i32
      %mul3A_97 = arith.muli %add3A_42, %mul3A_96 : i32
      %add3A_98 = arith.constant 9728 : i32
      %add3A_99 = arith.addi %add3A_98, %mul3A_97 : i32
      %get3A_100 = arith.index_cast %add3A_99 : i32 to index
      %get3A_101 = tpu.vector_load %arg7[%get3A_100] {strides = array<i32>} : memref<13312xf32, #tpu.memory_space<vmem>>, vector<16xf32>,
      %get3A_102 = vector.shape_cast %get3A_101 : vector<16xf32> to vector<16xf32>
      %add3A_103 = arith.addf %add3A_95, %get3A_102 : vector<16xf32>
      %mul3A_104 = arith.constant 16 : i32
      %mul3A_105 = arith.muli %add3A_42, %mul3A_104 : i32
      %add3A_106 = arith.constant 10240 : i32
      %add3A_107 = arith.addi %add3A_106, %mul3A_105 : i32
      %get3A_108 = arith.index_cast %add3A_107 : i32 to index
      %get3A_109 = tpu.vector_load %arg7[%get3A_108] {strides = array<i32>} : memref<13312xf32, #tpu.memory_space<vmem>>, vector<16xf32>,
      %get3A_110 = vector.shape_cast %get3A_109 : vector<16xf32> to vector<16xf32>
      %add3A_111 = arith.addf %add3A_103, %get3A_110 : vector<16xf32>
      %mul3A_112 = arith.constant 16 : i32
      %mul3A_113 = arith.muli %add3A_42, %mul3A_112 : i32
      %add3A_114 = arith.constant 10752 : i32
      %add3A_115 = arith.addi %add3A_114, %mul3A_113 : i32
      %get3A_116 = arith.index_cast %add3A_115 : i32 to index
      %get3A_117 = tpu.vector_load %arg7[%get3A_116] {strides = array<i32>} : memref<13312xf32, #tpu.memory_space<vmem>>, vector<16xf32>,
      %get3A_118 = vector.shape_cast %get3A_117 : vector<16xf32> to vector<16xf32>
      %add3A_119 = arith.addf %add3A_111, %get3A_118 : vector<16xf32>
      %mul3A_120 = arith.constant 16 : i32
      %mul3A_121 = arith.muli %add3A_42, %mul3A_120 : i32
      %add3A_122 = arith.constant 11264 : i32
      %add3A_123 = arith.addi %add3A_122, %mul3A_121 : i32
      %get3A_124 = arith.index_cast %add3A_123 : i32 to index
      %get3A_125 = tpu.vector_load %arg7[%get3A_124] {strides = array<i32>} : memref<13312xf32, #tpu.memory_space<vmem>>, vector<16xf32>,
      %get3A_126 = vector.shape_cast %get3A_125 : vector<16xf32> to vector<16xf32>
      %add3A_127 = arith.addf %add3A_119, %get3A_126 : vector<16xf32>
      %mul3A_128 = arith.constant 16 : i32
      %mul3A_129 = arith.muli %add3A_42, %mul3A_128 : i32
      %add3A_130 = arith.constant 11776 : i32
      %add3A_131 = arith.addi %add3A_130, %mul3A_129 : i32
      %get3A_132 = arith.index_cast %add3A_131 : i32 to index
      %get3A_133 = tpu.vector_load %arg7[%get3A_132] {strides = array<i32>} : memref<13312xf32, #tpu.memory_space<vmem>>, vector<16xf32>,
      %get3A_134 = vector.shape_cast %get3A_133 : vector<16xf32> to vector<16xf32>
      %add3A_135 = arith.addf %add3A_127, %get3A_134 : vector<16xf32>
      %mul3A_136 = arith.constant 16 : i32
      %mul3A_137 = arith.muli %add3A_42, %mul3A_136 : i32
      %add3A_138 = arith.constant 12288 : i32
      %add3A_139 = arith.addi %add3A_138, %mul3A_137 : i32
      %get3A_140 = arith.index_cast %add3A_139 : i32 to index
      %get3A_141 = tpu.vector_load %arg7[%get3A_140] {strides = array<i32>} : memref<13312xf32, #tpu.memory_space<vmem>>, vector<16xf32>,
      %get3A_142 = vector.shape_cast %get3A_141 : vector<16xf32> to vector<16xf32>
      %add3A_143 = arith.addf %add3A_135, %get3A_142 : vector<16xf32>
      %mul3A_144 = arith.constant 16 : i32
      %mul3A_145 = arith.muli %add3A_42, %mul3A_144 : i32
      %add3A_146 = arith.constant 12800 : i32
      %add3A_147 = arith.addi %add3A_146, %mul3A_145 : i32
      %get3A_148 = arith.index_cast %add3A_147 : i32 to index
      %get3A_149 = tpu.vector_load %arg7[%get3A_148] {strides = array<i32>} : memref<13312xf32, #tpu.memory_space<vmem>>, vector<16xf32>,
      %get3A_150 = vector.shape_cast %get3A_149 : vector<16xf32> to vector<16xf32>
      %add3A_151 = arith.addf %add3A_143, %get3A_150 : vector<16xf32>
      %mul3A_152 = arith.constant 16 : i32
      %mul3A_153 = arith.muli %add3A_42, %mul3A_152 : i32
      %swap3A = arith.index_cast %mul3A_153 : i32 to index
      %swap3A_154 = tpu.vector_load %arg8[%swap3A] {strides = array<i32>} : memref<512xf32, #tpu.memory_space<vmem>>, vector<16xf32>,
      %swap3A_155 = vector.shape_cast %swap3A_154 : vector<16xf32> to vector<16xf32>
      %swap3A_156 = vector.shape_cast %add3A_151 : vector<16xf32> to vector<16xf32>
      tpu.vector_store %arg8[%swap3A], %swap3A_156 {strides = array<i32>} : memref<512xf32, #tpu.memory_space<vmem>>, vector<16xf32>,
    }
    %scan3A_37 = arith.constant 32 : i32
    "tpu.region"() ({
      %run_scoped3A = tpu.sem_alloc : memref<!tpu.dma_semaphore, #tpu.memory_space<semaphore_mem>>
      %dma_start3A_38 = tpu.memref_slice %arg5[%mul3A_2] : memref<16384xf32, #tpu.memory_space<hbm>> -> memref<512xf32, #tpu.memory_space<hbm>>
      %dma_start3A_39 = tpu.memref_slice %arg5[%mul3A_2] : memref<16384xf32, #tpu.memory_space<hbm>> -> memref<512xf32, #tpu.memory_space<hbm>>
      tpu.enqueue_dma source(%arg8 : memref<512xf32, #tpu.memory_space<vmem>>) target(%dma_start3A_39 : memref<512xf32, #tpu.memory_space<hbm>>) target_semaphore(%run_scoped3A : memref<!tpu.dma_semaphore, #tpu.memory_space<semaphore_mem>>)
      %dma_wait3A_40 = tpu.memref_slice %arg5[%mul3A_2] : memref<16384xf32, #tpu.memory_space<hbm>> -> memref<512xf32, #tpu.memory_space<hbm>>
      %dma_wait3A_41 = tpu.memref_slice %arg5[%mul3A_2] : memref<16384xf32, #tpu.memory_space<hbm>> -> memref<512xf32, #tpu.memory_space<hbm>>
      tpu.wait_dma2 semaphore(%run_scoped3A : memref<!tpu.dma_semaphore, #tpu.memory_space<semaphore_mem>>) src(%arg8 : memref<512xf32, #tpu.memory_space<vmem>>) dst(%dma_wait3A_41 : memref<512xf32, #tpu.memory_space<hbm>>)
      tpu.yield
    }) : () -> ()
    return
  }
}

module attributes {stable_mosaic.version = 14 : i64} {
  func.func @_tc_squeeze_body(%arg0: i32, %arg1: memref<1x1310720xf32, #tpu.memory_space<vmem>>, %arg2: memref<1310720xf32, #tpu.memory_space<vmem>>) attributes {dimension_semantics = [#tpu.dimension_semantics<arbitrary>], iteration_bounds = array<i64: 2>, scalar_prefetch = 0 : i64, scratch_operands = 0 : i64, tpu.core_type = #tpu.core_type<tc>, window_params = [{transform_indices = @transform_0, window_bounds = array<i64: 1, 1310720>}, {transform_indices = @transform_1, window_bounds = array<i64: 1310720>}]} {
    %get3A = arith.constant 0 : index
    %get3A_0 = arith.constant 0 : index
    %get3A_1 = vector.load %arg1[%get3A, %get3A_0] : memref<1x1310720xf32, #tpu.memory_space<vmem>>, vector<1x1310720xf32>
    %get3A_2 = vector.shape_cast %get3A_1 : vector<1x1310720xf32> to vector<1310720xf32>
    %swap3A = arith.constant 0 : index
    %swap3A_3 = vector.load %arg2[%swap3A] : memref<1310720xf32, #tpu.memory_space<vmem>>, vector<1310720xf32>
    tpu.vector_store %arg2[%swap3A], %get3A_2 {strides = array<i32>} : memref<1310720xf32, #tpu.memory_space<vmem>>, vector<1310720xf32>,
    return
  }
  func.func @transform_0(%arg0: i32) -> (i32, i32) {
    %c0_i32 = arith.constant 0 : i32
    %c0_i32_0 = arith.constant 0 : i32
    return %c0_i32, %arg0 : i32, i32
  }
  func.func @transform_1(%arg0: i32) -> i32 {
    %c0_i32 = arith.constant 0 : i32
    return %arg0 : i32
  }
}

</mosaic_0001>

<sc_bundles>
// kernel: kernel.4.cloned.1.call-start
scs
__scs_entry_jumppad:
0x0: {  	(pc) =	sbr.rel $0x88, $3  }
0x1: {  	(tag) =	ssettag $0x0;
	lr =	simm.s32 $0x1  }
0x2: {  	[smem:$0x3F9E] =	sst lr;
	_ =	strace $0xD0000000  }
0x3: {  	_ = 	snop  }
0x4: {  	_ = 	snop  }
0x5: {  	_ = 	snop  }
0x6: {  	_ = 	snop  }
0x7: {  	_ = 	snop  }
__scs_overlays_trampoline_lowered:
0x8: {  	[smem:$0x3FAD] =	sst s0  }
0x9: {  	[smem:$0x3FAE] =	sst s1  }
0xa: {  	[smem:$0x3FAF] =	sst s2  }
0xb: {  	[smem:$0x3FB0] =	sst s3  }
0xc: {  	[smem:$0x3FB1] =	sst s4  }
0xd: {  	[smem:$0x3FB2] =	sst s5  }
0xe: {  	[smem:$0x3FB3] =	sst s6  }
0xf: {  	[smem:$0x3FB4] =	sst s7  }
0x10: {  	[smem:$0x3FB5] =	sst s8  }
0x11: {  	[smem:$0x3FB6] =	sst s9;
	s0 =	simm.s32 @!p0 $0x0  }
0x12: {  	s1 =	sld [smem:$0x3F9C];
	s0 =	simm.s32 @p0 $0x1  }
0x13: {  	[smem:$0x3FB7] =	sst s0;
	s0 =	simm.s32 @!p1 $0x0  }
0x14: {  	s2 =	sld [smem:$0x3F9B];
	s0 =	simm.s32 @p1 $0x1  }
0x15: {  	[smem:$0x3FB8] =	sst s0;
	s0 =	simm.s32 @!p2 $0x0  }
0x16: {  	s3 =	sld [smem:$0x3FDB];
	s0 =	simm.s32 @p2 $0x1  }
0x17: {  	s4 =	simm.s32 $0x1BF5;
	[smem:$0x3FBA] =	sst s0  }
0x18: {  	s0 =	sld [smem:$0x3F9D];
	_ =	swait.ge [sflag:s4], $0x0  }
0x19: {  	s7 =	sld [smem:$0x3F9E]  }
0x1a: {  	s8 =	sadd.s32 $0xFFFFE003, lr  }
0x1b: {  	s9 =	sadd.s32 $0xFFFFFEF7, lr;
	s5 =	simm.s32 $0xFFFFFFFF;
	p2 =	slt.u32 s8, $0xFFFFF086  }
0x1c: {  	p1 =	slt.u32 s9, $0xF7A;
	s5 =	simm.s32 @!p2 $0x0  }
0x1d: {  	s5 =	simm.s32 @p1 $0x1;
	p0 =	seq.s32 s7, s2  }
0x1e: {  	s7 =	smul.u32 @!p0 $0xF7A, s2;
	p2 =	seq.s32 @!p0 s5, $0x0  }
0x1f: {  	s9 =	smul.u32 $0xF7A, s1;
	s8 =	simm.s32 @!p0 $0x1BF5;
	p2 =	por !p2, p0  }
0x20: {  	[sflag:s8] =	ssyncset.s32 @!p0 $0xFFFFF086;
	s6 =	sadd.s32 @!p0 s3, s7;
	s7 =	simm.s32 @!p0 $0x108  }
0x21: {  	s3 =	sadd.s32 s3, s9;
	s6 =	sadd.s32 @!p0 $0x88, s6;
	s7 =	simm.s32 @p2 $0x1082  }
0x22: {  	[simem:s7], [sflag:s8] =	dma.local @!p0 [hbm:s6], $0xF7A  }
0x23: {  	s9 =	sor.u32 $0xD0000000, s2;
	s6 =	simm.s32 $0x108;
	_ =	swait.ge @!p0 [sflag:s8], $0x0  }
0x24: {  	s3 =	sadd.s32 $0x88, s3;
	s6 =	simm.s32 @!p1 $0x1082;
	[sflag:s4] =	ssyncset.s32 $0xFFFFF086  }
0x25: {  	[simem:s6], [sflag:s4] =	dma.local [hbm:s3], $0xF7A  }
0x26: {  	[smem:$0x3F9E] =	sst s1;
	(tag) =	ssettag s2;
	_ =	strace s9  }
0x27: {  	s1 =	sld [smem:$0x3FAE]  }
0x28: {  	s2 =	sld [smem:$0x3FAF]  }
0x29: {  	s4 =	sld [smem:$0x3FB1]  }
0x2a: {  	p0 =	seq.s32 s5, $0x0;
	s5 =	sld [smem:$0x3FB2]  }
0x2b: {  	s6 =	sld [smem:$0x3FB3]  }
0x2c: {  	s7 =	sld [smem:$0x3FB4]  }
0x2d: {  	s3 =	simm.s32 $0x108;
	s8 =	sld [smem:$0x3FB5]  }
0x2e: {  	s3 =	simm.s32 @!p0 $0x1082;
	s9 =	sld [smem:$0x3FB6]  }
0x2f: {  	lr =	sadd.s32 s0, s3;
	s0 =	sld [smem:$0x3FAD]  }
0x30: {  	s3 =	sld [smem:$0x3FB0]  }
0x31: {  	[smem:$0x3FB9] =	sst s10  }
0x32: {  	s10 =	sld [smem:$0x3FB7];
	_ =	sdelay $0x3  }
0x33: {  	p0 =	seq.s32 s10, $0x1;
	s10 =	sld [smem:$0x3FB9];
	_ =	sdelay $0x3  }
0x34: {  	[smem:$0x3FB9] =	sst s10  }
0x35: {  	s10 =	sld [smem:$0x3FB8];
	_ =	sdelay $0x3  }
0x36: {  	p1 =	seq.s32 s10, $0x1;
	s10 =	sld [smem:$0x3FB9];
	_ =	sdelay $0x3  }
0x37: {  	[smem:$0x3FB9] =	sst s10  }
0x38: {  	s10 =	sld [smem:$0x3FBA]  }
0x39: {  	_ = 	snop;
	(pc) =	sbr.ind lr, $3  }
0x3a: {  	_ = 	snop  }
0x3b: {  	_ = 	snop  }
0x3c: {  	p2 =	seq.s32 s10, $0x1;
	s10 =	sld [smem:$0x3FB9]  }
0x3d: {  	_ =	shalt  }
0x3e: {  	_ =	shalt  }
0x3f: {  	_ =	shalt  }
0x40: {  	_ =	shalt  }
0x41: {  	_ =	shalt  }
0x42: {  	_ =	shalt  }
0x43: {  	_ =	shalt  }
0x44: {  	_ =	shalt  }
0x45: {  	_ =	shalt  }
0x46: {  	_ =	shalt  }
0x47: {  	_ =	shalt  }
0x48: {  	_ =	shalt  }
0x49: {  	_ =	shalt  }
0x4a: {  	_ =	shalt  }
0x4b: {  	_ =	shalt  }
0x4c: {  	_ =	shalt  }
0x4d: {  	_ =	shalt  }
0x4e: {  	_ =	shalt  }
0x4f: {  	_ =	shalt  }
0x50: {  	_ =	shalt  }
0x51: {  	_ =	shalt  }
0x52: {  	_ =	shalt  }
0x53: {  	_ =	shalt  }
0x54: {  	_ =	shalt  }
0x55: {  	_ =	shalt  }
0x56: {  	_ =	shalt  }
0x57: {  	_ =	shalt  }
0x58: {  	_ =	shalt  }
0x59: {  	_ =	shalt  }
0x5a: {  	_ =	shalt  }
0x5b: {  	_ =	shalt  }
0x5c: {  	_ =	shalt  }
0x5d: {  	_ =	shalt  }
0x5e: {  	_ =	shalt  }
0x5f: {  	_ =	shalt  }
0x60: {  	_ =	shalt  }
0x61: {  	_ =	shalt  }
0x62: {  	_ =	shalt  }
0x63: {  	_ =	shalt  }
0x64: {  	_ =	shalt  }
0x65: {  	_ =	shalt  }
0x66: {  	_ =	shalt  }
0x67: {  	_ =	shalt  }
0x68: {  	_ =	shalt  }
0x69: {  	_ =	shalt  }
0x6a: {  	_ =	shalt  }
0x6b: {  	_ =	shalt  }
0x6c: {  	_ =	shalt  }
0x6d: {  	_ =	shalt  }
0x6e: {  	_ =	shalt  }
0x6f: {  	_ =	shalt  }
0x70: {  	_ =	shalt  }
0x71: {  	_ =	shalt  }
0x72: {  	_ =	shalt  }
0x73: {  	_ =	shalt  }
0x74: {  	_ =	shalt  }
0x75: {  	_ =	shalt  }
0x76: {  	_ =	shalt  }
0x77: {  	_ =	shalt  }
0x78: {  	_ =	shalt  }
0x79: {  	_ =	shalt  }
0x7a: {  	_ =	shalt  }
0x7b: {  	_ =	shalt  }
0x7c: {  	_ =	shalt  }
0x7d: {  	_ =	shalt  }
0x7e: {  	_ =	shalt  }
0x7f: {  	_ =	shalt  }
0x80: {  	_ =	shalt  }
0x81: {  	_ =	shalt  }
0x82: {  	_ =	shalt  }
0x83: {  	_ =	shalt  }
0x84: {  	_ =	shalt  }
0x85: {  	_ =	shalt  }
0x86: {  	_ =	shalt  }
0x87: {  	_ =	shalt  }
.Lfunc_end0:
.L_simem_size_0:
called_computation_lowered:
.L_overlay_start_0:
0x88: {  	s2 =	sld [smem:$0x3FD9]  }
0x89: {  	s3 =	sld [smem:$0x3FFE];
	_ =	sdelay $0x1  }
0x8a: {  	s1 =	srdreg.scid  }
0x8b: {  	s0 =	sand.u32 $0x1, s1  }
0x8c: {  	s17 =	sshll.u32 s0, $0xA;
	s2 =	sadd.s32 s3, s2  }
0x8d: {  	s2 =	sadd.s32 s2, s17  }
0x8e: {  	[smem:$0x3FC5] =	sst s2  }
0x8f: {  	_ = 	snop  }
0x90: {  	s2 =	sld [smem:$0x3FD0];
	(tm) =	ssettm $0x1  }
0x91: {  	s18 =	sld [smem:$0x3FFB];
	_ =	sdelay $0x3  }
0x92: {  	_ =	strace s18  }
0x93: {  	s3 =	sld [smem:$0x3FFC];
	_ =	sdelay $0x3  }
0x94: {  	_ =	strace s3  }
0x95: {  	s3 =	sld [smem:$0x3FFD];
	_ =	sdelay $0x3  }
0x96: {  	_ =	strace s3  }
0x97: {  	_ =	strace $0x8FFFFFFF  }
0x98: {  	s19 =	sld [smem:$0x3FDB];
	_ =	sdelay $0x1  }
0x99: {  	s4 =	simm.s32 $_scs_section_size  }
0x9a: {  	s5 =	simm.s32 $_size__tile_overlayer_lowered;
	s6 =	simm.s32 $_tile_overlayer_lowered  }
0x9b: {  	s22 =	simm.s32 $0x1BFF;
	s21 =	sshll.u32 s6, $0x1;
	s3 =	sadd.s32 s4, s19  }
0x9c: {  	s7 =	simm.s32 $0x0;
	s20 =	sshll.u32 s5, $0x1;
	s5 =	sadd.s32 s21, s3  }
0x9d: {  	[timem:s7], [sflag:s22] =	dma.local [hbm:s5], s20  }
0x9e: {  	_ =	swait.ge [sflag:s22], s20  }
0x9f: {  	s4 =	ssub.s32 $0x0, s20;
	[sflag:s22] =	ssyncset.done $0x0  }
0xa0: {  	[sflag:s22] =	ssyncadd.s32 s4;
	_ =	sdelay $0x1  }
0xa1: {  	s23 =	simm.s32 $0x1B8B  }
0xa2: {  	_ =	swait.ge [sflag:s23], $0x1  }
0xa3: {  	[sflag:s23] =	ssyncset.done $0x0  }
0xa4: {  	s25 =	simm.s32 $0x1B8E;
	s24 =	sld [smem:$0x3FFE];
	[sflag:s23] =	ssyncadd.s32 $0xFFFFFFFF  }
0xa5: {  	s26 =	simm.s32 $execute0_lowered;
	[smem:$0x3FD2] =	sst s25  }
0xa6: {  	s5 =	sshll.u32 s26, $0x1;
	_ =	strace $0x80000046;
	[dreg:$0x1] =	wrdreg $0xFFFFFFFF  }
0xa7: {  	s28 =	simm.s32 $_size_execute0_lowered;
	s3 =	sadd.s32 s3, s5;
	[dreg:$0x0] =	wrdreg $0x0  }
0xa8: {  	s5 =	sshll.u32 s28, $0x1;
	[dreg:$0x2] =	wrdreg s3  }
0xa9: {  	[dreg:$0x3] =	wrdreg s5  }
0xaa: {  	[dreg:$0x4] =	wrdreg $0xC0  }
0xab: {  	_ =	task [dreg:s7], $0x5FFFF  }
0xac: {  	[dreg:$0x1] =	wrdreg $0xFFFFFFFF  }
0xad: {  	[dreg:$0x0] =	wrdreg $0x60  }
0xae: {  	[dreg:$0x2] =	wrdreg s24  }
0xaf: {  	[dreg:$0x3] =	wrdreg s2  }
0xb0: {  	[dreg:$0x4] =	wrdreg $0x9  }
0xb1: {  	_ =	task.clear_ibuf [dreg:s7], $0x5FFFF;
	_ =	strace $0x90000046  }
0xb2: {  	s29 =	simm.s32 $0x9;
	_ =	strace $0x80000048  }
0xb3: {  	_ =	swait.ge [sflag:s29], $0x1  }
0xb4: {  	[sflag:s29] =	ssyncadd.s32 $0xFFFFFFFF  }
0xb5: {  	_ =	strace $0x90000048  }
0xb6: {  	_ =	sfence  }
0xb7: {  	s30 =	sld [smem:$0x0];
	_ =	sdelay $0x2  }
0xb8: {  	s31 =	sshll.u32 s1, $0xD;
	s1 =	sshrl.u32 s1, $0x2  }
0xb9: {  	s3 =	sand.u32 $0x4000, s31;
	s1 =	sadd.s32 s1, s30  }
0xba: {  	s0 =	sor.u32 s3, s0;
	s1 =	sshll.u32 s1, $0x11  }
0xbb: {  	s0 =	sor.u32 s1, s0  }
0xbc: {  	s0 =	sadd.s32 $0x8F2B, s0  }
0xbd: {  	[sflag:s0] =	ssyncadd.remote.s32 $0x1  }
0xbe: {  	_ =	sfence.sel $0xFFFF  }
0xbf: {  	[dreg:$0x0] =	wrdreg $0xFFFFFFFF;
	(pc) =	sbr.abs _section_cstart, $3  }
0xc0: {  	[dreg:$0x1] =	wrdreg $0xFFFFFFFF  }
0xc1: {  	_ =	task.clear_ibuf [dreg:s7], $0x2FFFF;
	_ =	strace $0x9FFFFFFF  }
0xc2: {  	(tm) =	ssettm $0x7FFFFFFF  }
0xc3: {  	_ =	shalt  }
tec
execute0_lowered:
.L_overlay_start_1:
0x0: {  	(tag) =	ssettag $0x1  }
0x1: {  	s1 =	srdreg.scid;
	s4 =	rddreg [dreg:$0x0]  }
0x2: {  	s0 =	stileid.u32;
	s7 =	rddreg [dreg:$0x1]  }
0x3: {  	s2 =	simm.s32 $0x0;
	s10 =	simm.s32 $0x80;
	s11 =	simm.s32 $0x400  }
0x4: {  	s12 =	simm.s32 $0x1A00;
	s13 =	simm.s32 $0x4E00;
	s14 =	simm.s32 $0x1  }
0x5: {  	s15 =	simm.s32 $0x2;
	s16 =	simm.s32 $0x6800;
	s17 =	simm.s32 $0x0  }
0x6: {  	s3 =	sand.u32 $0x1, s1;
	s28 =	sshll.u32 s0, $0x1;
	s1 =	rddreg [dreg:$0x2]  }
0x7: {  	s29 =	sshrl.u32 s0, $0x2;
	[smem:$0x7FF] =	sst s2;
	s6 =	sor.u32 s3, s28  }
0x8: {  	s5 =	smul.u32 $0x1A000, s29;
	_ =	strace $0x80000047;
	s30 =	sshll.u32 s6, $0x7  }
0x9: {  	s31 =	ssub.s32 $0x2, s3;
	s3 =	sadd.s32 $0xD800, s4;
	s8 =	sand.u32 $0x380, s30  }
0xa: {  	s9 =	sshrl.u32 s31, $0x1;
	s6 =	sshll.u32 s6, $0x6;
	s5 =	sor.u32 s5, s8  }
0xb: {  	s6 =	sadd.s32 s7, s6;
	s8 =	ssub.s32 s31, s9;
	s5 =	sshrl.u32 s5, $0x3  }
0xc: {  	s9 =	simm.s32 $0x3;
	s7 =	smax.u32 s8, $0x1;
	s5 =	sadd.s32 s5, s4  }
0xd: {  	s8 =	simm.s32 $0x6A00;
	s4 =	sadd.s32 $0x5CE00, s4;
	s5 =	sadd.s32 $0x800, s5  }
.LBB2_1:
0xe: {  	[tilespmem:s8], [sflag:$0x3] =	stream.linear.gather [hbm4b:s4+s2], $0x80, $0x38;
	[tilespmem:$0x6A80] =	vst v63  }
0xf: {  	_ =	swait.ge [sflag:s9], $0x80  }
0x10: {  	[sflag:s9] =	ssyncset.done $0x0  }
0x11: {  	[sflag:s9] =	ssyncadd.s32 $0xFFFFFF80  }
0x12: {  	[tilespmem:s2], [sflag:$0x3] =	stream.strided.gather [hbm4b:s5+s10], $0x3400, s11, s10, $0x38;
	[tilespmem:$0x6A80] =	vst v63  }
0x13: {  	_ =	swait.ge [sflag:s9], $0x3400  }
0x14: {  	[sflag:s9] =	ssyncset.done $0x0  }
0x15: {  	s18 =	simm.s32 $0x3400;
	[sflag:s9] =	ssyncadd.s32 $0xFFFFCC00  }
0x16: {  	[tilespmem:s18], [sflag:$0x1] =	stream.indirect.gather [hbm4b:s3+s12], $0x1, s2, s12, $0xb8;
	[tilespmem:$0x6A80] =	vst v63  }
0x17: {  	_ = 	snop  }
0x18: {  	[tilespmem:s13], [sflag:$0x2] =	stream.indirect.gather [hbm4b:s3+s12], $0x1, s12, s12, $0xb8;
	[tilespmem:$0x6A80] =	vst v63  }
0x19: {  	_ =	swait.ge [sflag:s14], $0x1A00  }
0x1a: {  	[sflag:s14] =	ssyncset.done $0x0  }
0x1b: {  	[sflag:s14] =	ssyncadd.s32 $0xFFFFE600  }
0x1c: {  	v0 =	vld [tilespmem:$0x6A00]  }
0x1d: {  	v1 =	vld [tilespmem:s18+$0x0]  }
0x1e: {  	s31 =	sand.u32 $0x1F0, s2  }
0x1f: {  	v2 =	vld [tilespmem:s31+$0x3600];
	_ =	sdelay $0x1  }
0x20: {  	v3 =	vld [tilespmem:s31+$0x3800]  }
0x21: {  	v1 =	vadd.f32 v1, v0  }
0x22: {  	v4 =	vld [tilespmem:s31+$0x3A00]  }
0x23: {  	v1 =	vadd.f32 v2, v1  }
0x24: {  	v2 =	vld [tilespmem:s31+$0x3C00]  }
0x25: {  	v1 =	vadd.f32 v3, v1  }
0x26: {  	v3 =	vld [tilespmem:s31+$0x3E00]  }
0x27: {  	v1 =	vadd.f32 v4, v1  }
0x28: {  	v61 =	vld [tilespmem:s31+$0x4000]  }
0x29: {  	v1 =	vadd.f32 v2, v1  }
0x2a: {  	v2 =	vld [tilespmem:s31+$0x4200]  }
0x2b: {  	v1 =	vadd.f32 v3, v1  }
0x2c: {  	v3 =	vld [tilespmem:s31+$0x4400]  }
0x2d: {  	v1 =	vadd.f32 v61, v1  }
0x2e: {  	v62 =	vld [tilespmem:s31+$0x4600]  }
0x2f: {  	v1 =	vadd.f32 v2, v1  }
0x30: {  	v2 =	vld [tilespmem:s31+$0x4800]  }
0x31: {  	v1 =	vadd.f32 v3, v1  }
0x32: {  	v3 =	vld [tilespmem:s31+$0x4A00]  }
0x33: {  	v1 =	vadd.f32 v62, v1  }
0x34: {  	v63 =	vld [tilespmem:s31+$0x4C00]  }
0x35: {  	v1 =	vadd.f32 v2, v1;
	_ =	sdelay $0x1  }
0x36: {  	v1 =	vadd.f32 v3, v1;
	_ =	sdelay $0x1  }
0x37: {  	v1 =	vadd.f32 v63, v1;
	_ =	sdelay $0x1  }
0x38: {  	s19 =	simm.s32 $0x3410;
	[tilespmem:s16+$0x0] =	vst v1  }
0x39: {  	s20 =	simm.s32 $0x10;
	s21 =	simm.s32 $0x20;
	s18 =	simm.s32 $0x6800;
	v1 =	vld [tilespmem:s19+$0x0]  }
.LBB2_2:
0x3a: {  	p0 =	sne.s32 s21, $0x1F0;
	s22 =	sand.u32 $0x1F0, s20;
	s20 =	smov.u32 s21  }
0x3b: {  	v2 =	vld [tilespmem:s22+$0x3600];
	_ =	sdelay $0x1  }
0x3c: {  	v3 =	vld [tilespmem:s22+$0x3800]  }
0x3d: {  	v1 =	vadd.f32 v1, v0  }
0x3e: {  	v4 =	vld [tilespmem:s22+$0x3A00]  }
0x3f: {  	v1 =	vadd.f32 v2, v1  }
0x40: {  	v2 =	vld [tilespmem:s22+$0x3C00]  }
0x41: {  	v1 =	vadd.f32 v3, v1  }
0x42: {  	v3 =	vld [tilespmem:s22+$0x3E00]  }
0x43: {  	v1 =	vadd.f32 v4, v1  }
0x44: {  	v4 =	vld [tilespmem:s22+$0x4000]  }
0x45: {  	v1 =	vadd.f32 v2, v1  }
0x46: {  	v2 =	vld [tilespmem:s22+$0x4200]  }
0x47: {  	v1 =	vadd.f32 v3, v1  }
0x48: {  	v3 =	vld [tilespmem:s22+$0x4400]  }
0x49: {  	v1 =	vadd.f32 v4, v1  }
0x4a: {  	v4 =	vld [tilespmem:s22+$0x4600]  }
0x4b: {  	v1 =	vadd.f32 v2, v1  }
0x4c: {  	v2 =	vld [tilespmem:s22+$0x4800]  }
0x4d: {  	v1 =	vadd.f32 v3, v1  }
0x4e: {  	v3 =	vld [tilespmem:s22+$0x4A00]  }
0x4f: {  	v1 =	vadd.f32 v4, v1  }
0x50: {  	v4 =	vld [tilespmem:s22+$0x4C00]  }
0x51: {  	v1 =	vadd.f32 v2, v1;
	_ =	sdelay $0x1  }
0x52: {  	v1 =	vadd.f32 v3, v1  }
.Ltmp0:
0x53: {  	(pc) =	sbr.rel @p0 .LBB2_2-.Ltmp0, $4  }
0x54: {  	v1 =	vadd.f32 v4, v1  }
0x55: {  	s18 =	sadd.s32 $0x10, s18  }
0x56: {  	s19 =	sadd.s32 $0x10, s19;
	[tilespmem:s18+$0x0] =	vst v1  }
0x57: {  	s21 =	sadd.s32 $0x10, s21;
	v1 =	vld [tilespmem:s19+$0x0]  }
0x58: {  	s19 =	sand.u32 $0x1F0, s20  }
0x59: {  	v2 =	vld [tilespmem:s19+$0x3600];
	_ =	sdelay $0x1  }
0x5a: {  	v3 =	vld [tilespmem:s19+$0x3800]  }
0x5b: {  	v0 =	vadd.f32 v1, v0  }
0x5c: {  	v1 =	vld [tilespmem:s19+$0x3A00]  }
0x5d: {  	v0 =	vadd.f32 v2, v0  }
0x5e: {  	v2 =	vld [tilespmem:s19+$0x3C00]  }
0x5f: {  	v0 =	vadd.f32 v3, v0  }
0x60: {  	v3 =	vld [tilespmem:s19+$0x3E00]  }
0x61: {  	v0 =	vadd.f32 v1, v0  }
0x62: {  	v1 =	vld [tilespmem:s19+$0x4000]  }
0x63: {  	v0 =	vadd.f32 v2, v0  }
0x64: {  	v2 =	vld [tilespmem:s19+$0x4200]  }
0x65: {  	v0 =	vadd.f32 v3, v0  }
0x66: {  	v3 =	vld [tilespmem:s19+$0x4400]  }
0x67: {  	v0 =	vadd.f32 v1, v0  }
0x68: {  	v1 =	vld [tilespmem:s19+$0x4600]  }
0x69: {  	v0 =	vadd.f32 v2, v0  }
0x6a: {  	v2 =	vld [tilespmem:s19+$0x4800]  }
0x6b: {  	v0 =	vadd.f32 v3, v0  }
0x6c: {  	v3 =	vld [tilespmem:s19+$0x4A00]  }
0x6d: {  	v0 =	vadd.f32 v1, v0  }
0x6e: {  	v1 =	vld [tilespmem:s19+$0x4C00]  }
0x6f: {  	v0 =	vadd.f32 v2, v0;
	_ =	sdelay $0x1  }
0x70: {  	v0 =	vadd.f32 v3, v0;
	_ =	sdelay $0x1  }
0x71: {  	v0 =	vadd.f32 v1, v0  }
0x72: {  	s18 =	sadd.s32 $0x10, s18  }
0x73: {  	[tilespmem:s18+$0x0] =	vst v0  }
0x74: {  	_ =	swait.ge [sflag:s15], $0x1A00  }
0x75: {  	s31 =	simm.s32 $0x0;
	[sflag:s15] =	ssyncset.done $0x0  }
0x76: {  	s19 =	sand.u32 $0x1F0, s31;
	[sflag:s15] =	ssyncadd.s32 $0xFFFFE600  }
0x77: {  	s20 =	simm.s32 $0x10;
	s18 =	simm.s32 $0x6800;
	v0 =	vld [tilespmem:s19+$0x4E00]  }
.LBB2_4:
0x78: {  	p0 =	sne.s32 s20, $0x1F0;
	v1 =	vld [tilespmem:s18+$0x0];
	_ =	sdelay $0x1  }
0x79: {  	v2 =	vld [tilespmem:s19+$0x5000];
	_ =	sdelay $0x1  }
0x7a: {  	v3 =	vld [tilespmem:s19+$0x5200]  }
0x7b: {  	v0 =	vadd.f32 v0, v1  }
0x7c: {  	v1 =	vld [tilespmem:s19+$0x5400]  }
0x7d: {  	v0 =	vadd.f32 v2, v0  }
0x7e: {  	v2 =	vld [tilespmem:s19+$0x5600]  }
0x7f: {  	v0 =	vadd.f32 v3, v0  }
0x80: {  	v3 =	vld [tilespmem:s19+$0x5800]  }
0x81: {  	v0 =	vadd.f32 v1, v0  }
0x82: {  	v1 =	vld [tilespmem:s19+$0x5A00]  }
0x83: {  	v0 =	vadd.f32 v2, v0  }
0x84: {  	v2 =	vld [tilespmem:s19+$0x5C00]  }
0x85: {  	v0 =	vadd.f32 v3, v0  }
0x86: {  	v3 =	vld [tilespmem:s19+$0x5E00]  }
0x87: {  	v0 =	vadd.f32 v1, v0  }
0x88: {  	v1 =	vld [tilespmem:s19+$0x6000]  }
0x89: {  	v0 =	vadd.f32 v2, v0  }
0x8a: {  	v2 =	vld [tilespmem:s19+$0x6200]  }
0x8b: {  	v0 =	vadd.f32 v3, v0  }
0x8c: {  	v3 =	vld [tilespmem:s19+$0x6400]  }
0x8d: {  	v0 =	vadd.f32 v1, v0  }
0x8e: {  	v1 =	vld [tilespmem:s19+$0x6600]  }
0x8f: {  	v0 =	vadd.f32 v2, v0;
	_ =	sdelay $0x1  }
0x90: {  	v0 =	vadd.f32 v3, v0  }
.Ltmp1:
0x91: {  	(pc) =	sbr.rel @p0 .LBB2_4-.Ltmp1, $3  }
0x92: {  	v0 =	vadd.f32 v1, v0;
	_ =	sdelay $0x1  }
0x93: {  	s19 =	sand.u32 $0x1F0, s20;
	[tilespmem:s18+$0x0] =	vst v0  }
0x94: {  	s20 =	sadd.s32 $0x10, s20;
	s18 =	sadd.s32 $0x10, s18;
	v0 =	vld [tilespmem:s19+$0x4E00]  }
0x95: {  	v1 =	vld [tilespmem:s18+$0x0];
	_ =	sdelay $0x1  }
0x96: {  	v2 =	vld [tilespmem:s19+$0x5000];
	_ =	sdelay $0x1  }
0x97: {  	v3 =	vld [tilespmem:s19+$0x5200]  }
0x98: {  	v0 =	vadd.f32 v0, v1  }
0x99: {  	v54 =	vld [tilespmem:s19+$0x5400]  }
0x9a: {  	v0 =	vadd.f32 v2, v0  }
0x9b: {  	v55 =	vld [tilespmem:s19+$0x5600]  }
0x9c: {  	v0 =	vadd.f32 v3, v0  }
0x9d: {  	v56 =	vld [tilespmem:s19+$0x5800]  }
0x9e: {  	v0 =	vadd.f32 v54, v0  }
0x9f: {  	v57 =	vld [tilespmem:s19+$0x5A00]  }
0xa0: {  	v0 =	vadd.f32 v55, v0  }
0xa1: {  	v58 =	vld [tilespmem:s19+$0x5C00]  }
0xa2: {  	v0 =	vadd.f32 v56, v0  }
0xa3: {  	v59 =	vld [tilespmem:s19+$0x5E00]  }
0xa4: {  	v0 =	vadd.f32 v57, v0  }
0xa5: {  	v60 =	vld [tilespmem:s19+$0x6000]  }
0xa6: {  	v0 =	vadd.f32 v58, v0  }
0xa7: {  	v61 =	vld [tilespmem:s19+$0x6200]  }
0xa8: {  	v0 =	vadd.f32 v59, v0  }
0xa9: {  	v62 =	vld [tilespmem:s19+$0x6400]  }
0xaa: {  	v0 =	vadd.f32 v60, v0  }
0xab: {  	v63 =	vld [tilespmem:s19+$0x6600]  }
0xac: {  	v0 =	vadd.f32 v61, v0;
	_ =	sdelay $0x1  }
0xad: {  	v0 =	vadd.f32 v62, v0;
	_ =	sdelay $0x1  }
0xae: {  	s17 =	sadd.s32 $0x1, s17;
	v0 =	vadd.f32 v63, v0  }
0xaf: {  	p0 =	sne.s32 s17, s7  }
.Ltmp2:
0xb0: {  	[tilespmem:s18+$0x0] =	vst v0;
	(pc) =	sbr.rel @p0 .LBB2_1-.Ltmp2, $4  }
0xb1: {  	[hbm4b:s6+s2] =	stream.linear.scatter [tilespmem:s16], [sflag:$0x3], $0x200, $0x38;
	[tilespmem:$0x6A80] =	vst v63  }
0xb2: {  	_ =	swait.ge [sflag:s9], $0x200  }
0xb3: {  	[sflag:s9] =	ssyncset.done $0x0  }
0xb4: {  	[sflag:s9] =	ssyncadd.s32 $0xFFFFFE00  }
0xb5: {  	_ =	sfence.sel $0x180000  }
0xb6: {  	[bflag:$0x0] =	sbarrier.arrive $0xFFFF  }
0xb7: {  	p0 =	sne.s32 s0, $0x0;
	_ =	strace $0x90000047  }
0xb8: {  	s0 =	sadd.s32 @!p0 $0x100000, s1;
	[bflag:$0x2] =	sbarrier.arrive $0xFFFF  }
0xb9: {  	[sflag:s0] =	ssyncadd.tile.s32 @!p0 $0x1;
	_ =	shalt  }
.Lfunc_end2:
_tile_overlayer_lowered:
.L_overlay_start_2:
0xba: {  	(tag) =	ssettag $0x2  }
0xbb: {  	s0 =	rddreg [dreg:$0x0];
	s2 =	stileid.u32  }
0xbc: {  	s1 =	rddreg [dreg:$0x1];
	p0 =	sne.s32 s2, $0x0  }
0xbd: {  	s3 =	rddreg [dreg:$0x2];
	[bflag:$0x3] =	sbarrier.arrive $0xFFFF;
	s2 =	simm.s32 @!p0 $0x1C03  }
0xbe: {  	[timem:s3], [sflag:s2] =	dma.local @!p0 [hbm:s0], s1  }
0xbf: {  	s0 =	simm.s32 @!p0 $0x3  }
0xc0: {  	_ =	swait.ge @!p0 [sflag:s0], s1  }
0xc1: {  	s1 =	ssub.s32 @!p0 $0x0, s1;
	[sflag:s0] =	ssyncset.done @!p0 $0x0  }
0xc2: {  	[sflag:s0] =	ssyncadd.s32 @!p0 s1  }
0xc3: {  	[bflag:$0x3] =	sbarrier.arrive $0xFFFF  }
0xc4: {  	_ =	shalt  }

</sc_bundles>
